<compile_context>
chip_gen: v7x
topology: tpu7x:2x2x1
jax: 0.10.2.dev20260603
libtpu: 0.0.44.dev20260713+nightly
codegen_flags: <defaults>
</compile_context>

<pallas_src>
import functools

import jax
import jax.numpy as jnp
from jax import lax
from jax.experimental import pallas as pl
from jax.experimental.pallas import tpu as pltpu, tpu_sc as plsc

_N_CODES = 8192
_D = 32
_BM = 4096
_BN = 2048
_COMMIT = 0.25


def _argmin_body(z_ref, eT_ref, idx_ref, loss_ref,
                 dmin_s, amin_s, acc_ref):
    m = pl.program_id(0)
    n = pl.program_id(1)
    n_last = pl.num_programs(1) - 1
    zb = z_ref[...]
    a = jnp.sum(zb * zb, axis=1, keepdims=True)
    z2 = (2.0 * zb).astype(jnp.bfloat16)
    eT = eT_ref[...]
    b = jnp.dot(z2, eT, preferred_element_type=jnp.float32)
    esq = jnp.sum(eT * eT, axis=0, keepdims=True)
    lanes = 128
    v = (a - b[:, :lanes]) + esq[:, :lanes]
    g = jnp.zeros((_BM, lanes), jnp.int32)
    for k in range(1, _BN // lanes):
        dk = (a - b[:, k * lanes:(k + 1) * lanes]) + esq[:, k * lanes:(k + 1) * lanes]
        better = dk < v
        v = jnp.where(better, dk, v)
        g = jnp.where(better, jnp.int32(k), g)
    dmin_c = jnp.min(v, axis=1, keepdims=True)
    jloc = g * lanes + lax.broadcasted_iota(jnp.int32, (_BM, lanes), 1)
    amin_c = jnp.min(
        jnp.where(v == dmin_c, jloc, jnp.int32(2**31 - 1)),
        axis=1, keepdims=True) + n * _BN

    @pl.when(n == 0)
    def _init_row():
        dmin_s[...] = dmin_c
        amin_s[...] = amin_c

    @pl.when(n > 0)
    def _merge():
        bv = dmin_s[...].astype(jnp.bfloat16).astype(jnp.float32)
        better = dmin_c < bv
        dmin_s[...] = jnp.where(better, dmin_c, bv)
        amin_s[...] = jnp.where(better, amin_c, amin_s[...])

    @pl.when(n == n_last)
    def _emit():
        idx_ref[...] = amin_s[...]

        @pl.when(m == 0)
        def _init_acc():
            acc_ref[0] = 0.0

        acc_ref[0] += jnp.sum(dmin_s[...])

        @pl.when(m == pl.num_programs(0) - 1)
        def _fin():
            loss_ref[0, 0] = acc_ref[0] * ((1.0 + _COMMIT) / (8 * 1024 * _D))


def _tc_argmin(flat_z, embeddings_t):
    n_rows = flat_z.shape[0]
    return pl.pallas_call(
        _argmin_body,
        grid=(n_rows // _BM, _N_CODES // _BN),
        in_specs=[
            pl.BlockSpec((_BM, _D), lambda m, n: (m, 0)),
            pl.BlockSpec((_D, _BN), lambda m, n: (0, n)),
        ],
        out_specs=[
            pl.BlockSpec((_BM, 1), lambda m, n: (m, 0)),
            pl.BlockSpec(memory_space=pltpu.SMEM),
        ],
        out_shape=[
            jax.ShapeDtypeStruct((n_rows, 1), jnp.int32),
            jax.ShapeDtypeStruct((1, 1), jnp.float32),
        ],
        scratch_shapes=[
            pltpu.VMEM((_BM, 1), jnp.float32),
            pltpu.VMEM((_BM, 1), jnp.int32),
            pltpu.SMEM((1,), jnp.float32),
        ],
        compiler_params=pltpu.CompilerParams(
            dimension_semantics=("arbitrary", "arbitrary")),
    )(flat_z, embeddings_t)


def _sc_gather_st(table, idx2d, flat_z):
    n_rows = flat_z.shape[0]
    info = plsc.get_sparse_core_info()
    nw = info.num_cores * info.num_subcores
    bpw = n_rows // nw
    n_chunks = bpw // 128
    mesh = plsc.VectorSubcoreMesh(core_axis_name="c", subcore_axis_name="s")

    @functools.partial(
        pl.kernel, mesh=mesh,
        compiler_params=pltpu.CompilerParams(use_tc_tiling_on_sc=False),
        out_type=jax.ShapeDtypeStruct((n_rows, _D), jnp.float32),
        scratch_types=[
            pltpu.VMEM((n_chunks, 128), jnp.int32),
            pltpu.VMEM((bpw, _D), jnp.float32),
            pltpu.VMEM((bpw, _D), jnp.float32),
            pltpu.SemaphoreType.DMA,
        ],
    )
    def body(table_hbm, idx_hbm, z_hbm, out_hbm, idx_v, rows_v, z_v, sem):
        wid = lax.axis_index("s") * info.num_cores + lax.axis_index("c")
        base = wid * bpw
        pltpu.sync_copy(idx_hbm.at[pl.ds(wid * n_chunks, n_chunks)], idx_v)
        cps = [
            pltpu.async_copy(table_hbm.at[idx_v.at[j]],
                             rows_v.at[pl.ds(j * 128, 128)], sem)
            for j in range(n_chunks)
        ]
        pltpu.sync_copy(z_hbm.at[pl.ds(base, bpw)], z_v)
        for cp in cps:
            cp.wait()

        def row(r, _):
            for h in range(_D // 16):
                q = rows_v[r, pl.ds(h * 16, 16)]
                zz = z_v[r, pl.ds(h * 16, 16)]
                rows_v[r, pl.ds(h * 16, 16)] = zz + (q - zz)
            return 0

        lax.fori_loop(0, bpw, row, 0)
        pltpu.sync_copy(rows_v, out_hbm.at[pl.ds(base, bpw)])

    return body(table, idx2d, flat_z)


def kernel(z, embeddings):
    flat_z = z.reshape(-1, _D)
    idx, loss = _tc_argmin(flat_z, embeddings.T)
    idx2d = idx.reshape(-1, 128)
    qst = _sc_gather_st(embeddings, idx2d, flat_z)
    return qst.reshape(z.shape), loss[0, 0]

# --- scband reference (transcript-rebuilt; emitter-appended) ---
"""Pipeline reference for scband-vector-quantizer-32538672234736 (READ-ONLY COPY).

The authoritative reference and input builder live on the scoring server;
editing this copy changes nothing except your own understanding.
"""

import jax, jax.numpy as jnp
import numpy as np

NUM_EMBEDDINGS = 8192
EMBEDDING_DIM = 32
COMMITMENT_COST = 0.25

def setup_inputs(seed: int = 0) -> dict:
    key = jax.random.key(seed)
    k1, k2 = jax.random.split(key)
    z = jax.random.normal(k1, (8, 1024, EMBEDDING_DIM), dtype=jnp.float32)
    embeddings = jax.random.uniform(
        k2, (NUM_EMBEDDINGS, EMBEDDING_DIM),
        minval=-1.0 / NUM_EMBEDDINGS, maxval=1.0 / NUM_EMBEDDINGS,
        dtype=jnp.float32)
    return {"z": z, "embeddings": embeddings}

def reference(z, embeddings):
    flat_z = z.reshape(-1, EMBEDDING_DIM)
    distances = (jnp.sum(flat_z ** 2, axis=1, keepdims=True)
                 - 2.0 * flat_z @ embeddings.T
                 + jnp.sum(embeddings ** 2, axis=1))
    encoding_indices = jnp.argmin(distances, axis=1)
    quantized = jnp.take(embeddings, encoding_indices, axis=0).reshape(z.shape)
    loss = (jnp.mean((jax.lax.stop_gradient(quantized) - z) ** 2)
            + COMMITMENT_COST * jnp.mean((quantized - jax.lax.stop_gradient(z)) ** 2))
    quantized_st = z + jax.lax.stop_gradient(quantized - z)
    return (quantized_st, loss)

if __name__ == "__main__":
    import jax
    _d = setup_inputs()
    print(jax.jit(kernel)(*tuple(_d.values())))

</pallas_src>

<mosaic_0001>
#map = affine_map<(d0, d1) -> (0, 0)>
module attributes {stable_mosaic.version = 14 : i64} {
  func.func @body(%arg0: i32, %arg1: i32, %arg2: memref<8192x32xf32, #tpu.memory_space<hbm>>, %arg3: memref<64x128xi32, #tpu.memory_space<hbm>>, %arg4: memref<8192x32xf32, #tpu.memory_space<hbm>>, %arg5: memref<8192x32xf32, #tpu.memory_space<hbm>>, %arg6: memref<2x128xi32, #tpu.memory_space<vmem>>, %arg7: memref<256x32xf32, #tpu.memory_space<vmem>>, %arg8: memref<256x32xf32, #tpu.memory_space<vmem>>, %arg9: memref<!tpu.dma_semaphore, #tpu.memory_space<semaphore_mem>>) attributes {dimension_semantics = [#tpu.dimension_semantics<core_parallel>, #tpu.dimension_semantics<subcore_parallel>], iteration_bounds = array<i64: 2, 16>, scalar_prefetch = 0 : i64, scratch_operands = 4 : i64, tpu.core_type = #tpu.core_type<sc_vector_subcore>, window_params = [{transform_indices = #map}, {transform_indices = #map}, {transform_indices = #map}, {transform_indices = #map}]} {
    %mul3A = arith.constant 2 : i32
    %mul3A_0 = arith.muli %arg1, %mul3A : i32
    %add3A = arith.addi %mul3A_0, %arg0 : i32
    %mul3A_1 = arith.constant 256 : i32
    %mul3A_2 = arith.muli %add3A, %mul3A_1 : i32
    %mul3A_3 = arith.constant 2 : i32
    %mul3A_4 = arith.muli %add3A, %mul3A_3 : i32
    "tpu.region"() ({
      %run_scoped3A = tpu.sem_alloc : memref<!tpu.dma_semaphore, #tpu.memory_space<semaphore_mem>>
      %dma_start3A_49 = arith.constant 0 : i32
      %dma_start3A_50 = tpu.memref_slice %arg3[%mul3A_4, %dma_start3A_49] : memref<64x128xi32, #tpu.memory_space<hbm>> -> memref<2x128xi32, #tpu.memory_space<hbm>>
      %dma_start3A_51 = arith.constant 0 : i32
      %dma_start3A_52 = tpu.memref_slice %arg3[%mul3A_4, %dma_start3A_51] : memref<64x128xi32, #tpu.memory_space<hbm>> -> memref<2x128xi32, #tpu.memory_space<hbm>>
      tpu.enqueue_dma source(%dma_start3A_52 : memref<2x128xi32, #tpu.memory_space<hbm>>) target(%arg6 : memref<2x128xi32, #tpu.memory_space<vmem>>) target_semaphore(%run_scoped3A : memref<!tpu.dma_semaphore, #tpu.memory_space<semaphore_mem>>)
      %dma_wait3A_53 = arith.constant 0 : i32
      %dma_wait3A_54 = tpu.memref_slice %arg3[%mul3A_4, %dma_wait3A_53] : memref<64x128xi32, #tpu.memory_space<hbm>> -> memref<2x128xi32, #tpu.memory_space<hbm>>
      %dma_wait3A_55 = arith.constant 0 : i32
      %dma_wait3A_56 = tpu.memref_slice %arg3[%mul3A_4, %dma_wait3A_55] : memref<64x128xi32, #tpu.memory_space<hbm>> -> memref<2x128xi32, #tpu.memory_space<hbm>>
      tpu.wait_dma2 semaphore(%run_scoped3A : memref<!tpu.dma_semaphore, #tpu.memory_space<semaphore_mem>>) src(%dma_wait3A_56 : memref<2x128xi32, #tpu.memory_space<hbm>>) dst(%arg6 : memref<2x128xi32, #tpu.memory_space<vmem>>)
      tpu.yield
    }) : () -> ()
    %dma_start3A = arith.constant 0 : i32
    %dma_start3A_5 = arith.constant 0 : i32
    %dma_start3A_6 = arith.constant 0 : i32
    %dma_start3A_7 = tpu.memref_slice %arg7[%dma_start3A_5, %dma_start3A_6] : memref<256x32xf32, #tpu.memory_space<vmem>> -> memref<128x32xf32, #tpu.memory_space<vmem>>
    %dma_start3A_8 = arith.constant 0 : i32
    %dma_start3A_9 = tpu.memref_slice %arg6[%dma_start3A, %dma_start3A_8] : memref<2x128xi32, #tpu.memory_space<vmem>> -> memref<1x128xi32, #tpu.memory_space<vmem>>
    %dma_start3A_10 = tpu.memref_squeeze %dma_start3A_9 : memref<1x128xi32, #tpu.memory_space<vmem>> -> memref<128xi32, #tpu.memory_space<vmem>>
    %dma_start3A_11 = arith.constant 0 : i32
    %dma_start3A_12 = arith.constant 0 : i32
    %dma_start3A_13 = tpu.memref_slice %arg2[%dma_start3A_11, %dma_start3A_12] : memref<8192x32xf32, #tpu.memory_space<hbm>> -> memref<8192x32xf32, #tpu.memory_space<hbm>>
    tpu.enqueue_indirect_dma source(%dma_start3A_13 : memref<8192x32xf32, #tpu.memory_space<hbm>>) target(%dma_start3A_7 : memref<128x32xf32, #tpu.memory_space<vmem>>) offsets(%dma_start3A_10 : memref<128xi32, #tpu.memory_space<vmem>>) semaphore(%arg9 : memref<!tpu.dma_semaphore, #tpu.memory_space<semaphore_mem>>)
    %dma_start3A_14 = arith.constant 1 : i32
    %dma_start3A_15 = arith.constant 128 : i32
    %dma_start3A_16 = arith.constant 0 : i32
    %dma_start3A_17 = tpu.memref_slice %arg7[%dma_start3A_15, %dma_start3A_16] : memref<256x32xf32, #tpu.memory_space<vmem>> -> memref<128x32xf32, #tpu.memory_space<vmem>>
    %dma_start3A_18 = arith.constant 0 : i32
    %dma_start3A_19 = tpu.memref_slice %arg6[%dma_start3A_14, %dma_start3A_18] : memref<2x128xi32, #tpu.memory_space<vmem>> -> memref<1x128xi32, #tpu.memory_space<vmem>>
    %dma_start3A_20 = tpu.memref_squeeze %dma_start3A_19 : memref<1x128xi32, #tpu.memory_space<vmem>> -> memref<128xi32, #tpu.memory_space<vmem>>
    %dma_start3A_21 = arith.constant 0 : i32
    %dma_start3A_22 = arith.constant 0 : i32
    %dma_start3A_23 = tpu.memref_slice %arg2[%dma_start3A_21, %dma_start3A_22] : memref<8192x32xf32, #tpu.memory_space<hbm>> -> memref<8192x32xf32, #tpu.memory_space<hbm>>
    tpu.enqueue_indirect_dma source(%dma_start3A_23 : memref<8192x32xf32, #tpu.memory_space<hbm>>) target(%dma_start3A_17 : memref<128x32xf32, #tpu.memory_space<vmem>>) offsets(%dma_start3A_20 : memref<128xi32, #tpu.memory_space<vmem>>) semaphore(%arg9 : memref<!tpu.dma_semaphore, #tpu.memory_space<semaphore_mem>>)
    "tpu.region"() ({
      %run_scoped3A = tpu.sem_alloc : memref<!tpu.dma_semaphore, #tpu.memory_space<semaphore_mem>>
      %dma_start3A_49 = arith.constant 0 : i32
      %dma_start3A_50 = tpu.memref_slice %arg4[%mul3A_2, %dma_start3A_49] : memref<8192x32xf32, #tpu.memory_space<hbm>> -> memref<256x32xf32, #tpu.memory_space<hbm>>
      %dma_start3A_51 = arith.constant 0 : i32
      %dma_start3A_52 = tpu.memref_slice %arg4[%mul3A_2, %dma_start3A_51] : memref<8192x32xf32, #tpu.memory_space<hbm>> -> memref<256x32xf32, #tpu.memory_space<hbm>>
      tpu.enqueue_dma source(%dma_start3A_52 : memref<256x32xf32, #tpu.memory_space<hbm>>) target(%arg8 : memref<256x32xf32, #tpu.memory_space<vmem>>) target_semaphore(%run_scoped3A : memref<!tpu.dma_semaphore, #tpu.memory_space<semaphore_mem>>)
      %dma_wait3A_53 = arith.constant 0 : i32
      %dma_wait3A_54 = tpu.memref_slice %arg4[%mul3A_2, %dma_wait3A_53] : memref<8192x32xf32, #tpu.memory_space<hbm>> -> memref<256x32xf32, #tpu.memory_space<hbm>>
      %dma_wait3A_55 = arith.constant 0 : i32
      %dma_wait3A_56 = tpu.memref_slice %arg4[%mul3A_2, %dma_wait3A_55] : memref<8192x32xf32, #tpu.memory_space<hbm>> -> memref<256x32xf32, #tpu.memory_space<hbm>>
      tpu.wait_dma2 semaphore(%run_scoped3A : memref<!tpu.dma_semaphore, #tpu.memory_space<semaphore_mem>>) src(%dma_wait3A_56 : memref<256x32xf32, #tpu.memory_space<hbm>>) dst(%arg8 : memref<256x32xf32, #tpu.memory_space<vmem>>)
      tpu.yield
    }) : () -> ()
    %dma_wait3A = arith.constant 0 : i32
    %dma_wait3A_24 = arith.constant 0 : i32
    %dma_wait3A_25 = arith.constant 0 : i32
    %dma_wait3A_26 = tpu.memref_slice %arg7[%dma_wait3A_24, %dma_wait3A_25] : memref<256x32xf32, #tpu.memory_space<vmem>> -> memref<128x32xf32, #tpu.memory_space<vmem>>
    %dma_wait3A_27 = arith.constant 0 : i32
    %dma_wait3A_28 = tpu.memref_slice %arg6[%dma_wait3A, %dma_wait3A_27] : memref<2x128xi32, #tpu.memory_space<vmem>> -> memref<1x128xi32, #tpu.memory_space<vmem>>
    %dma_wait3A_29 = tpu.memref_squeeze %dma_wait3A_28 : memref<1x128xi32, #tpu.memory_space<vmem>> -> memref<128xi32, #tpu.memory_space<vmem>>
    %dma_wait3A_30 = arith.constant 0 : i32
    %dma_wait3A_31 = arith.constant 0 : i32
    %dma_wait3A_32 = tpu.memref_slice %arg2[%dma_wait3A_30, %dma_wait3A_31] : memref<8192x32xf32, #tpu.memory_space<hbm>> -> memref<8192x32xf32, #tpu.memory_space<hbm>>
    tpu.wait_indirect_dma semaphore(%arg9 : memref<!tpu.dma_semaphore, #tpu.memory_space<semaphore_mem>>) src(%dma_wait3A_32 : memref<8192x32xf32, #tpu.memory_space<hbm>>) dst(%dma_wait3A_26 : memref<128x32xf32, #tpu.memory_space<vmem>>)
    %dma_wait3A_33 = arith.constant 1 : i32
    %dma_wait3A_34 = arith.constant 128 : i32
    %dma_wait3A_35 = arith.constant 0 : i32
    %dma_wait3A_36 = tpu.memref_slice %arg7[%dma_wait3A_34, %dma_wait3A_35] : memref<256x32xf32, #tpu.memory_space<vmem>> -> memref<128x32xf32, #tpu.memory_space<vmem>>
    %dma_wait3A_37 = arith.constant 0 : i32
    %dma_wait3A_38 = tpu.memref_slice %arg6[%dma_wait3A_33, %dma_wait3A_37] : memref<2x128xi32, #tpu.memory_space<vmem>> -> memref<1x128xi32, #tpu.memory_space<vmem>>
    %dma_wait3A_39 = tpu.memref_squeeze %dma_wait3A_38 : memref<1x128xi32, #tpu.memory_space<vmem>> -> memref<128xi32, #tpu.memory_space<vmem>>
    %dma_wait3A_40 = arith.constant 0 : i32
    %dma_wait3A_41 = arith.constant 0 : i32
    %dma_wait3A_42 = tpu.memref_slice %arg2[%dma_wait3A_40, %dma_wait3A_41] : memref<8192x32xf32, #tpu.memory_space<hbm>> -> memref<8192x32xf32, #tpu.memory_space<hbm>>
    tpu.wait_indirect_dma semaphore(%arg9 : memref<!tpu.dma_semaphore, #tpu.memory_space<semaphore_mem>>) src(%dma_wait3A_42 : memref<8192x32xf32, #tpu.memory_space<hbm>>) dst(%dma_wait3A_36 : memref<128x32xf32, #tpu.memory_space<vmem>>)
    %scan3A = arith.constant 0 : i32
    %scan3A_43 = arith.constant 0 : i32
    %scan3A_44 = arith.constant 256 : i32
    %scan3A_45 = arith.addi %scan3A_43, %scan3A_44 : i32
    %scan3A_46 = arith.constant 1 : i32
    %scan3A_47 = scf.for %scan3A_49 = %scan3A_43 to %scan3A_45 step %scan3A_46 iter_args(%scan3A_50 = %scan3A) -> (i32)  : i32 {
      %get3A = arith.index_cast %scan3A_49 : i32 to index
      %get3A_51 = arith.constant 0 : index
      %get3A_52 = tpu.vector_load %arg7[%get3A, %get3A_51] {strides = array<i32>} : memref<256x32xf32, #tpu.memory_space<vmem>>, vector<1x16xf32>,
      %get3A_53 = vector.shape_cast %get3A_52 : vector<1x16xf32> to vector<16xf32>
      %get3A_54 = arith.index_cast %scan3A_49 : i32 to index
      %get3A_55 = arith.constant 0 : index
      %get3A_56 = tpu.vector_load %arg8[%get3A_54, %get3A_55] {strides = array<i32>} : memref<256x32xf32, #tpu.memory_space<vmem>>, vector<1x16xf32>,
      %get3A_57 = vector.shape_cast %get3A_56 : vector<1x16xf32> to vector<16xf32>
      %sub3A = arith.subf %get3A_53, %get3A_57 : vector<16xf32>
      %add3A_58 = arith.addf %get3A_57, %sub3A : vector<16xf32>
      %swap3A = arith.index_cast %scan3A_49 : i32 to index
      %swap3A_59 = arith.constant 0 : index
      %swap3A_60 = tpu.vector_load %arg7[%swap3A, %swap3A_59] {strides = array<i32>} : memref<256x32xf32, #tpu.memory_space<vmem>>, vector<1x16xf32>,
      %swap3A_61 = vector.shape_cast %swap3A_60 : vector<1x16xf32> to vector<16xf32>
      %swap3A_62 = vector.shape_cast %add3A_58 : vector<16xf32> to vector<1x16xf32>
      tpu.vector_store %arg7[%swap3A, %swap3A_59], %swap3A_62 {strides = array<i32>} : memref<256x32xf32, #tpu.memory_space<vmem>>, vector<1x16xf32>,
      %get3A_63 = arith.index_cast %scan3A_49 : i32 to index
      %get3A_64 = arith.constant 16 : index
      %get3A_65 = tpu.vector_load %arg7[%get3A_63, %get3A_64] {strides = array<i32>} : memref<256x32xf32, #tpu.memory_space<vmem>>, vector<1x16xf32>,
      %get3A_66 = vector.shape_cast %get3A_65 : vector<1x16xf32> to vector<16xf32>
      %get3A_67 = arith.index_cast %scan3A_49 : i32 to index
      %get3A_68 = arith.constant 16 : index
      %get3A_69 = tpu.vector_load %arg8[%get3A_67, %get3A_68] {strides = array<i32>} : memref<256x32xf32, #tpu.memory_space<vmem>>, vector<1x16xf32>,
      %get3A_70 = vector.shape_cast %get3A_69 : vector<1x16xf32> to vector<16xf32>
      %sub3A_71 = arith.subf %get3A_66, %get3A_70 : vector<16xf32>
      %add3A_72 = arith.addf %get3A_70, %sub3A_71 : vector<16xf32>
      %swap3A_73 = arith.index_cast %scan3A_49 : i32 to index
      %swap3A_74 = arith.constant 16 : index
      %swap3A_75 = tpu.vector_load %arg7[%swap3A_73, %swap3A_74] {strides = array<i32>} : memref<256x32xf32, #tpu.memory_space<vmem>>, vector<1x16xf32>,
      %swap3A_76 = vector.shape_cast %swap3A_75 : vector<1x16xf32> to vector<16xf32>
      %swap3A_77 = vector.shape_cast %add3A_72 : vector<16xf32> to vector<1x16xf32>
      tpu.vector_store %arg7[%swap3A_73, %swap3A_74], %swap3A_77 {strides = array<i32>} : memref<256x32xf32, #tpu.memory_space<vmem>>, vector<1x16xf32>,
      %scan3A_78 = arith.constant 0 : i32
      scf.yield %scan3A_78 : i32
    }
    %scan3A_48 = arith.constant 256 : i32
    "tpu.region"() ({
      %run_scoped3A = tpu.sem_alloc : memref<!tpu.dma_semaphore, #tpu.memory_space<semaphore_mem>>
      %dma_start3A_49 = arith.constant 0 : i32
      %dma_start3A_50 = tpu.memref_slice %arg5[%mul3A_2, %dma_start3A_49] : memref<8192x32xf32, #tpu.memory_space<hbm>> -> memref<256x32xf32, #tpu.memory_space<hbm>>
      %dma_start3A_51 = arith.constant 0 : i32
      %dma_start3A_52 = tpu.memref_slice %arg5[%mul3A_2, %dma_start3A_51] : memref<8192x32xf32, #tpu.memory_space<hbm>> -> memref<256x32xf32, #tpu.memory_space<hbm>>
      tpu.enqueue_dma source(%arg7 : memref<256x32xf32, #tpu.memory_space<vmem>>) target(%dma_start3A_52 : memref<256x32xf32, #tpu.memory_space<hbm>>) target_semaphore(%run_scoped3A : memref<!tpu.dma_semaphore, #tpu.memory_space<semaphore_mem>>)
      %dma_wait3A_53 = arith.constant 0 : i32
      %dma_wait3A_54 = tpu.memref_slice %arg5[%mul3A_2, %dma_wait3A_53] : memref<8192x32xf32, #tpu.memory_space<hbm>> -> memref<256x32xf32, #tpu.memory_space<hbm>>
      %dma_wait3A_55 = arith.constant 0 : i32
      %dma_wait3A_56 = tpu.memref_slice %arg5[%mul3A_2, %dma_wait3A_55] : memref<8192x32xf32, #tpu.memory_space<hbm>> -> memref<256x32xf32, #tpu.memory_space<hbm>>
      tpu.wait_dma2 semaphore(%run_scoped3A : memref<!tpu.dma_semaphore, #tpu.memory_space<semaphore_mem>>) src(%arg7 : memref<256x32xf32, #tpu.memory_space<vmem>>) dst(%dma_wait3A_56 : memref<256x32xf32, #tpu.memory_space<hbm>>)
      tpu.yield
    }) : () -> ()
    return
  }
}

module attributes {stable_mosaic.version = 14 : i64} {
  func.func @_argmin_body(%arg0: i32, %arg1: i32, %arg2: memref<4096x32xf32, #tpu.memory_space<vmem>>, %arg3: memref<32x2048xf32, #tpu.memory_space<vmem>>, %arg4: memref<4096x1xi32, #tpu.memory_space<vmem>>, %arg5: memref<1x1xf32, #tpu.memory_space<smem>>, %arg6: memref<4096x1xf32, #tpu.memory_space<vmem>>, %arg7: memref<4096x1xi32, #tpu.memory_space<vmem>>, %arg8: memref<1xf32, #tpu.memory_space<smem>>) attributes {dimension_semantics = [#tpu.dimension_semantics<arbitrary>, #tpu.dimension_semantics<arbitrary>], iteration_bounds = array<i64: 2, 4>, scalar_prefetch = 0 : i64, scratch_operands = 3 : i64, tpu.core_type = #tpu.core_type<tc>, window_params = [{transform_indices = @transform_0, window_bounds = array<i64: 4096, 32>}, {transform_indices = @transform_1, window_bounds = array<i64: 32, 2048>}, {transform_indices = @transform_2, window_bounds = array<i64: 4096, 1>}, {transform_indices = @transform_3, window_bounds = array<i64: 1, 1>}]} {
    %get3A = arith.constant 0 : index
    %get3A_0 = arith.constant 0 : index
    %get3A_1 = vector.load %arg2[%get3A, %get3A_0] : memref<4096x32xf32, #tpu.memory_space<vmem>>, vector<4096x32xf32>
    %mul3A = arith.mulf %get3A_1, %get3A_1 : vector<4096x32xf32>
    %reduce_sum3A = arith.constant dense<0.000000e+00> : vector<4096xf32>
    %reduce_sum3A_2 = vector.multi_reduction <add>, %mul3A, %reduce_sum3A [1] : vector<4096x32xf32> to vector<4096xf32>
    %broadcast_in_dim3A = vector.shape_cast %reduce_sum3A_2 : vector<4096xf32> to vector<4096x1xf32>
    %mul3A_3 = arith.constant 2.000000e+00 : f32
    %mul3A_4 = vector.broadcast %mul3A_3 : f32 to vector<4096x32xf32>
    %mul3A_5 = arith.mulf %mul3A_4, %get3A_1 : vector<4096x32xf32>
    %convert_element_type3A = arith.truncf %mul3A_5 : vector<4096x32xf32> to vector<4096x32xbf16>
    %get3A_6 = arith.constant 0 : index
    %get3A_7 = arith.constant 0 : index
    %get3A_8 = vector.load %arg3[%get3A_6, %get3A_7] : memref<32x2048xf32, #tpu.memory_space<vmem>>, vector<32x2048xf32>
    %dot_general3A = arith.constant dense<0.000000e+00> : vector<4096x2048xf32>
    %dot_general3A_9 = tpu.matmul %convert_element_type3A, %get3A_8, %dot_general3A {dimension_numbers = #tpu.dot_dimension_numbers<[1], [0], [0], [1], [0, 0, 1, 1], [], []>, transpose_lhs_hint = false} : vector<4096x32xbf16>, vector<32x2048xf32>, vector<4096x2048xf32> -> vector<4096x2048xf32>
    %mul3A_10 = arith.mulf %get3A_8, %get3A_8 : vector<32x2048xf32>
    %reduce_sum3A_11 = arith.constant dense<0.000000e+00> : vector<2048xf32>
    %reduce_sum3A_12 = vector.multi_reduction <add>, %mul3A_10, %reduce_sum3A_11 [0] : vector<32x2048xf32> to vector<2048xf32>
    %broadcast_in_dim3A_13 = vector.shape_cast %reduce_sum3A_12 : vector<2048xf32> to vector<1x2048xf32>
    %slice3A = vector.extract_strided_slice %dot_general3A_9 {offsets = [0, 0], sizes = [4096, 128], strides = [1, 1]} : vector<4096x2048xf32> to vector<4096x128xf32>
    %sub3A = vector.broadcast %broadcast_in_dim3A : vector<4096x1xf32> to vector<4096x128xf32>
    %sub3A_14 = arith.subf %sub3A, %slice3A : vector<4096x128xf32>
    %slice3A_15 = vector.extract_strided_slice %broadcast_in_dim3A_13 {offsets = [0, 0], sizes = [1, 128], strides = [1, 1]} : vector<1x2048xf32> to vector<1x128xf32>
    %add3A = vector.broadcast %slice3A_15 : vector<1x128xf32> to vector<4096x128xf32>
    %add3A_16 = arith.addf %sub3A_14, %add3A : vector<4096x128xf32>
    %broadcast_in_dim3A_17 = arith.constant 0 : i32
    %broadcast_in_dim3A_18 = vector.broadcast %broadcast_in_dim3A_17 : i32 to vector<4096x128xi32>
    %slice3A_19 = vector.extract_strided_slice %dot_general3A_9 {offsets = [0, 128], sizes = [4096, 128], strides = [1, 1]} : vector<4096x2048xf32> to vector<4096x128xf32>
    %sub3A_20 = vector.broadcast %broadcast_in_dim3A : vector<4096x1xf32> to vector<4096x128xf32>
    %sub3A_21 = arith.subf %sub3A_20, %slice3A_19 : vector<4096x128xf32>
    %slice3A_22 = vector.extract_strided_slice %broadcast_in_dim3A_13 {offsets = [0, 128], sizes = [1, 128], strides = [1, 1]} : vector<1x2048xf32> to vector<1x128xf32>
    %add3A_23 = vector.broadcast %slice3A_22 : vector<1x128xf32> to vector<4096x128xf32>
    %add3A_24 = arith.addf %sub3A_21, %add3A_23 : vector<4096x128xf32>
    %lt3A = arith.cmpf olt, %add3A_24, %add3A_16 : vector<4096x128xf32>
    %select_n3A = arith.select %lt3A, %add3A_24, %add3A_16 : vector<4096x128xi1>, vector<4096x128xf32>
    %jit3A = arith.constant 1 : i32
    %broadcast_in_dim3A_25 = vector.broadcast %jit3A : i32 to vector<4096x128xi32>
    %select_n3A_26 = arith.select %lt3A, %broadcast_in_dim3A_25, %broadcast_in_dim3A_18 : vector<4096x128xi1>, vector<4096x128xi32>
    %slice3A_27 = vector.extract_strided_slice %dot_general3A_9 {offsets = [0, 256], sizes = [4096, 128], strides = [1, 1]} : vector<4096x2048xf32> to vector<4096x128xf32>
    %sub3A_28 = vector.broadcast %broadcast_in_dim3A : vector<4096x1xf32> to vector<4096x128xf32>
    %sub3A_29 = arith.subf %sub3A_28, %slice3A_27 : vector<4096x128xf32>
    %slice3A_30 = vector.extract_strided_slice %broadcast_in_dim3A_13 {offsets = [0, 256], sizes = [1, 128], strides = [1, 1]} : vector<1x2048xf32> to vector<1x128xf32>
    %add3A_31 = vector.broadcast %slice3A_30 : vector<1x128xf32> to vector<4096x128xf32>
    %add3A_32 = arith.addf %sub3A_29, %add3A_31 : vector<4096x128xf32>
    %lt3A_33 = arith.cmpf olt, %add3A_32, %select_n3A : vector<4096x128xf32>
    %select_n3A_34 = arith.select %lt3A_33, %add3A_32, %select_n3A : vector<4096x128xi1>, vector<4096x128xf32>
    %jit3A_35 = arith.constant 2 : i32
    %broadcast_in_dim3A_36 = vector.broadcast %jit3A_35 : i32 to vector<4096x128xi32>
    %select_n3A_37 = arith.select %lt3A_33, %broadcast_in_dim3A_36, %select_n3A_26 : vector<4096x128xi1>, vector<4096x128xi32>
    %slice3A_38 = vector.extract_strided_slice %dot_general3A_9 {offsets = [0, 384], sizes = [4096, 128], strides = [1, 1]} : vector<4096x2048xf32> to vector<4096x128xf32>
    %sub3A_39 = vector.broadcast %broadcast_in_dim3A : vector<4096x1xf32> to vector<4096x128xf32>
    %sub3A_40 = arith.subf %sub3A_39, %slice3A_38 : vector<4096x128xf32>
    %slice3A_41 = vector.extract_strided_slice %broadcast_in_dim3A_13 {offsets = [0, 384], sizes = [1, 128], strides = [1, 1]} : vector<1x2048xf32> to vector<1x128xf32>
    %add3A_42 = vector.broadcast %slice3A_41 : vector<1x128xf32> to vector<4096x128xf32>
    %add3A_43 = arith.addf %sub3A_40, %add3A_42 : vector<4096x128xf32>
    %lt3A_44 = arith.cmpf olt, %add3A_43, %select_n3A_34 : vector<4096x128xf32>
    %select_n3A_45 = arith.select %lt3A_44, %add3A_43, %select_n3A_34 : vector<4096x128xi1>, vector<4096x128xf32>
    %jit3A_46 = arith.constant 3 : i32
    %broadcast_in_dim3A_47 = vector.broadcast %jit3A_46 : i32 to vector<4096x128xi32>
    %select_n3A_48 = arith.select %lt3A_44, %broadcast_in_dim3A_47, %select_n3A_37 : vector<4096x128xi1>, vector<4096x128xi32>
    %slice3A_49 = vector.extract_strided_slice %dot_general3A_9 {offsets = [0, 512], sizes = [4096, 128], strides = [1, 1]} : vector<4096x2048xf32> to vector<4096x128xf32>
    %sub3A_50 = vector.broadcast %broadcast_in_dim3A : vector<4096x1xf32> to vector<4096x128xf32>
    %sub3A_51 = arith.subf %sub3A_50, %slice3A_49 : vector<4096x128xf32>
    %slice3A_52 = vector.extract_strided_slice %broadcast_in_dim3A_13 {offsets = [0, 512], sizes = [1, 128], strides = [1, 1]} : vector<1x2048xf32> to vector<1x128xf32>
    %add3A_53 = vector.broadcast %slice3A_52 : vector<1x128xf32> to vector<4096x128xf32>
    %add3A_54 = arith.addf %sub3A_51, %add3A_53 : vector<4096x128xf32>
    %lt3A_55 = arith.cmpf olt, %add3A_54, %select_n3A_45 : vector<4096x128xf32>
    %select_n3A_56 = arith.select %lt3A_55, %add3A_54, %select_n3A_45 : vector<4096x128xi1>, vector<4096x128xf32>
    %jit3A_57 = arith.constant 4 : i32
    %broadcast_in_dim3A_58 = vector.broadcast %jit3A_57 : i32 to vector<4096x128xi32>
    %select_n3A_59 = arith.select %lt3A_55, %broadcast_in_dim3A_58, %select_n3A_48 : vector<4096x128xi1>, vector<4096x128xi32>
    %slice3A_60 = vector.extract_strided_slice %dot_general3A_9 {offsets = [0, 640], sizes = [4096, 128], strides = [1, 1]} : vector<4096x2048xf32> to vector<4096x128xf32>
    %sub3A_61 = vector.broadcast %broadcast_in_dim3A : vector<4096x1xf32> to vector<4096x128xf32>
    %sub3A_62 = arith.subf %sub3A_61, %slice3A_60 : vector<4096x128xf32>
    %slice3A_63 = vector.extract_strided_slice %broadcast_in_dim3A_13 {offsets = [0, 640], sizes = [1, 128], strides = [1, 1]} : vector<1x2048xf32> to vector<1x128xf32>
    %add3A_64 = vector.broadcast %slice3A_63 : vector<1x128xf32> to vector<4096x128xf32>
    %add3A_65 = arith.addf %sub3A_62, %add3A_64 : vector<4096x128xf32>
    %lt3A_66 = arith.cmpf olt, %add3A_65, %select_n3A_56 : vector<4096x128xf32>
    %select_n3A_67 = arith.select %lt3A_66, %add3A_65, %select_n3A_56 : vector<4096x128xi1>, vector<4096x128xf32>
    %jit3A_68 = arith.constant 5 : i32
    %broadcast_in_dim3A_69 = vector.broadcast %jit3A_68 : i32 to vector<4096x128xi32>
    %select_n3A_70 = arith.select %lt3A_66, %broadcast_in_dim3A_69, %select_n3A_59 : vector<4096x128xi1>, vector<4096x128xi32>
    %slice3A_71 = vector.extract_strided_slice %dot_general3A_9 {offsets = [0, 768], sizes = [4096, 128], strides = [1, 1]} : vector<4096x2048xf32> to vector<4096x128xf32>
    %sub3A_72 = vector.broadcast %broadcast_in_dim3A : vector<4096x1xf32> to vector<4096x128xf32>
    %sub3A_73 = arith.subf %sub3A_72, %slice3A_71 : vector<4096x128xf32>
    %slice3A_74 = vector.extract_strided_slice %broadcast_in_dim3A_13 {offsets = [0, 768], sizes = [1, 128], strides = [1, 1]} : vector<1x2048xf32> to vector<1x128xf32>
    %add3A_75 = vector.broadcast %slice3A_74 : vector<1x128xf32> to vector<4096x128xf32>
    %add3A_76 = arith.addf %sub3A_73, %add3A_75 : vector<4096x128xf32>
    %lt3A_77 = arith.cmpf olt, %add3A_76, %select_n3A_67 : vector<4096x128xf32>
    %select_n3A_78 = arith.select %lt3A_77, %add3A_76, %select_n3A_67 : vector<4096x128xi1>, vector<4096x128xf32>
    %jit3A_79 = arith.constant 6 : i32
    %broadcast_in_dim3A_80 = vector.broadcast %jit3A_79 : i32 to vector<4096x128xi32>
    %select_n3A_81 = arith.select %lt3A_77, %broadcast_in_dim3A_80, %select_n3A_70 : vector<4096x128xi1>, vector<4096x128xi32>
    %slice3A_82 = vector.extract_strided_slice %dot_general3A_9 {offsets = [0, 896], sizes = [4096, 128], strides = [1, 1]} : vector<4096x2048xf32> to vector<4096x128xf32>
    %sub3A_83 = vector.broadcast %broadcast_in_dim3A : vector<4096x1xf32> to vector<4096x128xf32>
    %sub3A_84 = arith.subf %sub3A_83, %slice3A_82 : vector<4096x128xf32>
    %slice3A_85 = vector.extract_strided_slice %broadcast_in_dim3A_13 {offsets = [0, 896], sizes = [1, 128], strides = [1, 1]} : vector<1x2048xf32> to vector<1x128xf32>
    %add3A_86 = vector.broadcast %slice3A_85 : vector<1x128xf32> to vector<4096x128xf32>
    %add3A_87 = arith.addf %sub3A_84, %add3A_86 : vector<4096x128xf32>
    %lt3A_88 = arith.cmpf olt, %add3A_87, %select_n3A_78 : vector<4096x128xf32>
    %select_n3A_89 = arith.select %lt3A_88, %add3A_87, %select_n3A_78 : vector<4096x128xi1>, vector<4096x128xf32>
    %jit3A_90 = arith.constant 7 : i32
    %broadcast_in_dim3A_91 = vector.broadcast %jit3A_90 : i32 to vector<4096x128xi32>
    %select_n3A_92 = arith.select %lt3A_88, %broadcast_in_dim3A_91, %select_n3A_81 : vector<4096x128xi1>, vector<4096x128xi32>
    %slice3A_93 = vector.extract_strided_slice %dot_general3A_9 {offsets = [0, 1024], sizes = [4096, 128], strides = [1, 1]} : vector<4096x2048xf32> to vector<4096x128xf32>
    %sub3A_94 = vector.broadcast %broadcast_in_dim3A : vector<4096x1xf32> to vector<4096x128xf32>
    %sub3A_95 = arith.subf %sub3A_94, %slice3A_93 : vector<4096x128xf32>
    %slice3A_96 = vector.extract_strided_slice %broadcast_in_dim3A_13 {offsets = [0, 1024], sizes = [1, 128], strides = [1, 1]} : vector<1x2048xf32> to vector<1x128xf32>
    %add3A_97 = vector.broadcast %slice3A_96 : vector<1x128xf32> to vector<4096x128xf32>
    %add3A_98 = arith.addf %sub3A_95, %add3A_97 : vector<4096x128xf32>
    %lt3A_99 = arith.cmpf olt, %add3A_98, %select_n3A_89 : vector<4096x128xf32>
    %select_n3A_100 = arith.select %lt3A_99, %add3A_98, %select_n3A_89 : vector<4096x128xi1>, vector<4096x128xf32>
    %jit3A_101 = arith.constant 8 : i32
    %broadcast_in_dim3A_102 = vector.broadcast %jit3A_101 : i32 to vector<4096x128xi32>
    %select_n3A_103 = arith.select %lt3A_99, %broadcast_in_dim3A_102, %select_n3A_92 : vector<4096x128xi1>, vector<4096x128xi32>
    %slice3A_104 = vector.extract_strided_slice %dot_general3A_9 {offsets = [0, 1152], sizes = [4096, 128], strides = [1, 1]} : vector<4096x2048xf32> to vector<4096x128xf32>
    %sub3A_105 = vector.broadcast %broadcast_in_dim3A : vector<4096x1xf32> to vector<4096x128xf32>
    %sub3A_106 = arith.subf %sub3A_105, %slice3A_104 : vector<4096x128xf32>
    %slice3A_107 = vector.extract_strided_slice %broadcast_in_dim3A_13 {offsets = [0, 1152], sizes = [1, 128], strides = [1, 1]} : vector<1x2048xf32> to vector<1x128xf32>
    %add3A_108 = vector.broadcast %slice3A_107 : vector<1x128xf32> to vector<4096x128xf32>
    %add3A_109 = arith.addf %sub3A_106, %add3A_108 : vector<4096x128xf32>
    %lt3A_110 = arith.cmpf olt, %add3A_109, %select_n3A_100 : vector<4096x128xf32>
    %select_n3A_111 = arith.select %lt3A_110, %add3A_109, %select_n3A_100 : vector<4096x128xi1>, vector<4096x128xf32>
    %jit3A_112 = arith.constant 9 : i32
    %broadcast_in_dim3A_113 = vector.broadcast %jit3A_112 : i32 to vector<4096x128xi32>
    %select_n3A_114 = arith.select %lt3A_110, %broadcast_in_dim3A_113, %select_n3A_103 : vector<4096x128xi1>, vector<4096x128xi32>
    %slice3A_115 = vector.extract_strided_slice %dot_general3A_9 {offsets = [0, 1280], sizes = [4096, 128], strides = [1, 1]} : vector<4096x2048xf32> to vector<4096x128xf32>
    %sub3A_116 = vector.broadcast %broadcast_in_dim3A : vector<4096x1xf32> to vector<4096x128xf32>
    %sub3A_117 = arith.subf %sub3A_116, %slice3A_115 : vector<4096x128xf32>
    %slice3A_118 = vector.extract_strided_slice %broadcast_in_dim3A_13 {offsets = [0, 1280], sizes = [1, 128], strides = [1, 1]} : vector<1x2048xf32> to vector<1x128xf32>
    %add3A_119 = vector.broadcast %slice3A_118 : vector<1x128xf32> to vector<4096x128xf32>
    %add3A_120 = arith.addf %sub3A_117, %add3A_119 : vector<4096x128xf32>
    %lt3A_121 = arith.cmpf olt, %add3A_120, %select_n3A_111 : vector<4096x128xf32>
    %select_n3A_122 = arith.select %lt3A_121, %add3A_120, %select_n3A_111 : vector<4096x128xi1>, vector<4096x128xf32>
    %jit3A_123 = arith.constant 10 : i32
    %broadcast_in_dim3A_124 = vector.broadcast %jit3A_123 : i32 to vector<4096x128xi32>
    %select_n3A_125 = arith.select %lt3A_121, %broadcast_in_dim3A_124, %select_n3A_114 : vector<4096x128xi1>, vector<4096x128xi32>
    %slice3A_126 = vector.extract_strided_slice %dot_general3A_9 {offsets = [0, 1408], sizes = [4096, 128], strides = [1, 1]} : vector<4096x2048xf32> to vector<4096x128xf32>
    %sub3A_127 = vector.broadcast %broadcast_in_dim3A : vector<4096x1xf32> to vector<4096x128xf32>
    %sub3A_128 = arith.subf %sub3A_127, %slice3A_126 : vector<4096x128xf32>
    %slice3A_129 = vector.extract_strided_slice %broadcast_in_dim3A_13 {offsets = [0, 1408], sizes = [1, 128], strides = [1, 1]} : vector<1x2048xf32> to vector<1x128xf32>
    %add3A_130 = vector.broadcast %slice3A_129 : vector<1x128xf32> to vector<4096x128xf32>
    %add3A_131 = arith.addf %sub3A_128, %add3A_130 : vector<4096x128xf32>
    %lt3A_132 = arith.cmpf olt, %add3A_131, %select_n3A_122 : vector<4096x128xf32>
    %select_n3A_133 = arith.select %lt3A_132, %add3A_131, %select_n3A_122 : vector<4096x128xi1>, vector<4096x128xf32>
    %jit3A_134 = arith.constant 11 : i32
    %broadcast_in_dim3A_135 = vector.broadcast %jit3A_134 : i32 to vector<4096x128xi32>
    %select_n3A_136 = arith.select %lt3A_132, %broadcast_in_dim3A_135, %select_n3A_125 : vector<4096x128xi1>, vector<4096x128xi32>
    %slice3A_137 = vector.extract_strided_slice %dot_general3A_9 {offsets = [0, 1536], sizes = [4096, 128], strides = [1, 1]} : vector<4096x2048xf32> to vector<4096x128xf32>
    %sub3A_138 = vector.broadcast %broadcast_in_dim3A : vector<4096x1xf32> to vector<4096x128xf32>
    %sub3A_139 = arith.subf %sub3A_138, %slice3A_137 : vector<4096x128xf32>
    %slice3A_140 = vector.extract_strided_slice %broadcast_in_dim3A_13 {offsets = [0, 1536], sizes = [1, 128], strides = [1, 1]} : vector<1x2048xf32> to vector<1x128xf32>
    %add3A_141 = vector.broadcast %slice3A_140 : vector<1x128xf32> to vector<4096x128xf32>
    %add3A_142 = arith.addf %sub3A_139, %add3A_141 : vector<4096x128xf32>
    %lt3A_143 = arith.cmpf olt, %add3A_142, %select_n3A_133 : vector<4096x128xf32>
    %select_n3A_144 = arith.select %lt3A_143, %add3A_142, %select_n3A_133 : vector<4096x128xi1>, vector<4096x128xf32>
    %jit3A_145 = arith.constant 12 : i32
    %broadcast_in_dim3A_146 = vector.broadcast %jit3A_145 : i32 to vector<4096x128xi32>
    %select_n3A_147 = arith.select %lt3A_143, %broadcast_in_dim3A_146, %select_n3A_136 : vector<4096x128xi1>, vector<4096x128xi32>
    %slice3A_148 = vector.extract_strided_slice %dot_general3A_9 {offsets = [0, 1664], sizes = [4096, 128], strides = [1, 1]} : vector<4096x2048xf32> to vector<4096x128xf32>
    %sub3A_149 = vector.broadcast %broadcast_in_dim3A : vector<4096x1xf32> to vector<4096x128xf32>
    %sub3A_150 = arith.subf %sub3A_149, %slice3A_148 : vector<4096x128xf32>
    %slice3A_151 = vector.extract_strided_slice %broadcast_in_dim3A_13 {offsets = [0, 1664], sizes = [1, 128], strides = [1, 1]} : vector<1x2048xf32> to vector<1x128xf32>
    %add3A_152 = vector.broadcast %slice3A_151 : vector<1x128xf32> to vector<4096x128xf32>
    %add3A_153 = arith.addf %sub3A_150, %add3A_152 : vector<4096x128xf32>
    %lt3A_154 = arith.cmpf olt, %add3A_153, %select_n3A_144 : vector<4096x128xf32>
    %select_n3A_155 = arith.select %lt3A_154, %add3A_153, %select_n3A_144 : vector<4096x128xi1>, vector<4096x128xf32>
    %jit3A_156 = arith.constant 13 : i32
    %broadcast_in_dim3A_157 = vector.broadcast %jit3A_156 : i32 to vector<4096x128xi32>
    %select_n3A_158 = arith.select %lt3A_154, %broadcast_in_dim3A_157, %select_n3A_147 : vector<4096x128xi1>, vector<4096x128xi32>
    %slice3A_159 = vector.extract_strided_slice %dot_general3A_9 {offsets = [0, 1792], sizes = [4096, 128], strides = [1, 1]} : vector<4096x2048xf32> to vector<4096x128xf32>
    %sub3A_160 = vector.broadcast %broadcast_in_dim3A : vector<4096x1xf32> to vector<4096x128xf32>
    %sub3A_161 = arith.subf %sub3A_160, %slice3A_159 : vector<4096x128xf32>
    %slice3A_162 = vector.extract_strided_slice %broadcast_in_dim3A_13 {offsets = [0, 1792], sizes = [1, 128], strides = [1, 1]} : vector<1x2048xf32> to vector<1x128xf32>
    %add3A_163 = vector.broadcast %slice3A_162 : vector<1x128xf32> to vector<4096x128xf32>
    %add3A_164 = arith.addf %sub3A_161, %add3A_163 : vector<4096x128xf32>
    %lt3A_165 = arith.cmpf olt, %add3A_164, %select_n3A_155 : vector<4096x128xf32>
    %select_n3A_166 = arith.select %lt3A_165, %add3A_164, %select_n3A_155 : vector<4096x128xi1>, vector<4096x128xf32>
    %jit3A_167 = arith.constant 14 : i32
    %broadcast_in_dim3A_168 = vector.broadcast %jit3A_167 : i32 to vector<4096x128xi32>
    %select_n3A_169 = arith.select %lt3A_165, %broadcast_in_dim3A_168, %select_n3A_158 : vector<4096x128xi1>, vector<4096x128xi32>
    %slice3A_170 = vector.extract_strided_slice %dot_general3A_9 {offsets = [0, 1920], sizes = [4096, 128], strides = [1, 1]} : vector<4096x2048xf32> to vector<4096x128xf32>
    %sub3A_171 = vector.broadcast %broadcast_in_dim3A : vector<4096x1xf32> to vector<4096x128xf32>
    %sub3A_172 = arith.subf %sub3A_171, %slice3A_170 : vector<4096x128xf32>
    %slice3A_173 = vector.extract_strided_slice %broadcast_in_dim3A_13 {offsets = [0, 1920], sizes = [1, 128], strides = [1, 1]} : vector<1x2048xf32> to vector<1x128xf32>
    %add3A_174 = vector.broadcast %slice3A_173 : vector<1x128xf32> to vector<4096x128xf32>
    %add3A_175 = arith.addf %sub3A_172, %add3A_174 : vector<4096x128xf32>
    %lt3A_176 = arith.cmpf olt, %add3A_175, %select_n3A_166 : vector<4096x128xf32>
    %select_n3A_177 = arith.select %lt3A_176, %add3A_175, %select_n3A_166 : vector<4096x128xi1>, vector<4096x128xf32>
    %jit3A_178 = arith.constant 15 : i32
    %broadcast_in_dim3A_179 = vector.broadcast %jit3A_178 : i32 to vector<4096x128xi32>
    %select_n3A_180 = arith.select %lt3A_176, %broadcast_in_dim3A_179, %select_n3A_169 : vector<4096x128xi1>, vector<4096x128xi32>
    %reduce_min3A = arith.constant dense<0x7F800000> : vector<4096xf32>
    %reduce_min3A_181 = vector.multi_reduction <minimumf>, %select_n3A_177, %reduce_min3A [1] : vector<4096x128xf32> to vector<4096xf32>
    %broadcast_in_dim3A_182 = vector.shape_cast %reduce_min3A_181 : vector<4096xf32> to vector<4096x1xf32>
    %mul3A_183 = arith.constant 128 : i32
    %mul3A_184 = vector.broadcast %mul3A_183 : i32 to vector<4096x128xi32>
    %mul3A_185 = arith.muli %select_n3A_180, %mul3A_184 : vector<4096x128xi32>
    %iota3A = tpu.iota {dimensions = array<i32: 1>} : vector<4096x128xi32>
    %add3A_186 = arith.addi %mul3A_185, %iota3A : vector<4096x128xi32>
    %eq3A = vector.broadcast %broadcast_in_dim3A_182 : vector<4096x1xf32> to vector<4096x128xf32>
    %eq3A_187 = arith.cmpf oeq, %select_n3A_177, %eq3A : vector<4096x128xf32>
    %jit3A_188 = arith.constant 2147483647 : i32
    %broadcast_in_dim3A_189 = vector.broadcast %jit3A_188 : i32 to vector<4096x128xi32>
    %select_n3A_190 = arith.select %eq3A_187, %add3A_186, %broadcast_in_dim3A_189 : vector<4096x128xi1>, vector<4096x128xi32>
    %reduce_min3A_191 = arith.constant dense<2147483647> : vector<4096xi32>
    %reduce_min3A_192 = vector.multi_reduction <minsi>, %select_n3A_190, %reduce_min3A_191 [1] : vector<4096x128xi32> to vector<4096xi32>
    %broadcast_in_dim3A_193 = vector.shape_cast %reduce_min3A_192 : vector<4096xi32> to vector<4096x1xi32>
    %mul3A_194 = arith.constant 2048 : i32
    %mul3A_195 = arith.muli %arg1, %mul3A_194 : i32
    %add3A_196 = vector.broadcast %mul3A_195 : i32 to vector<4096x1xi32>
    %add3A_197 = arith.addi %broadcast_in_dim3A_193, %add3A_196 : vector<4096x1xi32>
    %eq3A_198 = arith.constant 0 : i32
    %eq3A_199 = arith.cmpi eq, %arg1, %eq3A_198 : i32
    %convert_element_type3A_200 = arith.extui %eq3A_199 : i1 to i32
    %cond3A = arith.constant 0 : i32
    %cond3A_201 = arith.cmpi ne, %convert_element_type3A_200, %cond3A : i32
    scf.if %cond3A_201 {
      %swap3A = arith.constant 0 : index
      %swap3A_211 = arith.constant 0 : index
      %swap3A_212 = vector.load %arg6[%swap3A, %swap3A_211] : memref<4096x1xf32, #tpu.memory_space<vmem>>, vector<4096x1xf32>
      tpu.vector_store %arg6[%swap3A, %swap3A_211], %broadcast_in_dim3A_182 {strides = array<i32>} : memref<4096x1xf32, #tpu.memory_space<vmem>>, vector<4096x1xf32>,
      %swap3A_213 = arith.constant 0 : index
      %swap3A_214 = arith.constant 0 : index
      %swap3A_215 = vector.load %arg7[%swap3A_213, %swap3A_214] : memref<4096x1xi32, #tpu.memory_space<vmem>>, vector<4096x1xi32>
      tpu.vector_store %arg7[%swap3A_213, %swap3A_214], %add3A_197 {strides = array<i32>} : memref<4096x1xi32, #tpu.memory_space<vmem>>, vector<4096x1xi32>,
    } else {
    }
    %gt3A = arith.constant 0 : i32
    %gt3A_202 = arith.cmpi sgt, %arg1, %gt3A : i32
    %convert_element_type3A_203 = arith.extui %gt3A_202 : i1 to i32
    %cond3A_204 = arith.constant 0 : i32
    %cond3A_205 = arith.cmpi ne, %convert_element_type3A_203, %cond3A_204 : i32
    scf.if %cond3A_205 {
      %get3A_211 = arith.constant 0 : index
      %get3A_212 = arith.constant 0 : index
      %get3A_213 = vector.load %arg6[%get3A_211, %get3A_212] : memref<4096x1xf32, #tpu.memory_space<vmem>>, vector<4096x1xf32>
      %convert_element_type3A_214 = arith.truncf %get3A_213 : vector<4096x1xf32> to vector<4096x1xbf16>
      %convert_element_type3A_215 = arith.extf %convert_element_type3A_214 : vector<4096x1xbf16> to vector<4096x1xf32>
      %lt3A_216 = arith.cmpf olt, %broadcast_in_dim3A_182, %convert_element_type3A_215 : vector<4096x1xf32>
      %select_n3A_217 = arith.select %lt3A_216, %broadcast_in_dim3A_182, %convert_element_type3A_215 : vector<4096x1xi1>, vector<4096x1xf32>
      %swap3A = arith.constant 0 : index
      %swap3A_218 = arith.constant 0 : index
      %swap3A_219 = vector.load %arg6[%swap3A, %swap3A_218] : memref<4096x1xf32, #tpu.memory_space<vmem>>, vector<4096x1xf32>
      tpu.vector_store %arg6[%swap3A, %swap3A_218], %select_n3A_217 {strides = array<i32>} : memref<4096x1xf32, #tpu.memory_space<vmem>>, vector<4096x1xf32>,
      %get3A_220 = arith.constant 0 : index
      %get3A_221 = arith.constant 0 : index
      %get3A_222 = vector.load %arg7[%get3A_220, %get3A_221] : memref<4096x1xi32, #tpu.memory_space<vmem>>, vector<4096x1xi32>
      %select_n3A_223 = arith.select %lt3A_216, %add3A_197, %get3A_222 : vector<4096x1xi1>, vector<4096x1xi32>
      %swap3A_224 = arith.constant 0 : index
      %swap3A_225 = arith.constant 0 : index
      %swap3A_226 = vector.load %arg7[%swap3A_224, %swap3A_225] : memref<4096x1xi32, #tpu.memory_space<vmem>>, vector<4096x1xi32>
      tpu.vector_store %arg7[%swap3A_224, %swap3A_225], %select_n3A_223 {strides = array<i32>} : memref<4096x1xi32, #tpu.memory_space<vmem>>, vector<4096x1xi32>,
    } else {
    }
    %eq3A_206 = arith.constant 3 : i32
    %eq3A_207 = arith.cmpi eq, %arg1, %eq3A_206 : i32
    %convert_element_type3A_208 = arith.extui %eq3A_207 : i1 to i32
    %cond3A_209 = arith.constant 0 : i32
    %cond3A_210 = arith.cmpi ne, %convert_element_type3A_208, %cond3A_209 : i32
    scf.if %cond3A_210 {
      %get3A_211 = arith.constant 0 : index
      %get3A_212 = arith.constant 0 : index
      %get3A_213 = vector.load %arg7[%get3A_211, %get3A_212] : memref<4096x1xi32, #tpu.memory_space<vmem>>, vector<4096x1xi32>
      %swap3A = arith.constant 0 : index
      %swap3A_214 = arith.constant 0 : index
      %swap3A_215 = vector.load %arg4[%swap3A, %swap3A_214] : memref<4096x1xi32, #tpu.memory_space<vmem>>, vector<4096x1xi32>
      tpu.vector_store %arg4[%swap3A, %swap3A_214], %get3A_213 {strides = array<i32>} : memref<4096x1xi32, #tpu.memory_space<vmem>>, vector<4096x1xi32>,
      %eq3A_216 = arith.constant 0 : i32
      %eq3A_217 = arith.cmpi eq, %arg0, %eq3A_216 : i32
      %convert_element_type3A_218 = arith.extui %eq3A_217 : i1 to i32
      %cond3A_219 = arith.constant 0 : i32
      %cond3A_220 = arith.cmpi ne, %convert_element_type3A_218, %cond3A_219 : i32
      scf.if %cond3A_220 {
        %swap3A_239 = arith.constant 0.000000e+00 : f32
        %swap3A_240 = arith.constant 0 : index
        %swap3A_241 = memref.load %arg8[%swap3A_240] : memref<1xf32, #tpu.memory_space<smem>>
        memref.store %swap3A_239, %arg8[%swap3A_240] : memref<1xf32, #tpu.memory_space<smem>>
      } else {
      }
      %get3A_221 = arith.constant 0 : index
      %get3A_222 = memref.load %arg8[%get3A_221] : memref<1xf32, #tpu.memory_space<smem>>
      %get3A_223 = arith.constant 0 : index
      %get3A_224 = arith.constant 0 : index
      %get3A_225 = vector.load %arg6[%get3A_223, %get3A_224] : memref<4096x1xf32, #tpu.memory_space<vmem>>, vector<4096x1xf32>
      %reduce_sum3A_226 = vector.shape_cast %get3A_225 : vector<4096x1xf32> to vector<1x4096x1xf32>
      %reduce_sum3A_227 = arith.constant dense<0.000000e+00> : vector<1xf32>
      %reduce_sum3A_228 = vector.multi_reduction <add>, %reduce_sum3A_226, %reduce_sum3A_227 [1, 2] : vector<1x4096x1xf32> to vector<1xf32>
      %reduce_sum3A_229 = vector.shape_cast %reduce_sum3A_228 : vector<1xf32> to vector<1x1x1xf32>
      %reduce_sum3A_230 = vector.extract %reduce_sum3A_229[0, 0, 0] : f32 from vector<1x1x1xf32>
      %add3A_231 = arith.addf %get3A_222, %reduce_sum3A_230 : f32
      %swap3A_232 = arith.constant 0 : index
      %swap3A_233 = memref.load %arg8[%swap3A_232] : memref<1xf32, #tpu.memory_space<smem>>
      memref.store %add3A_231, %arg8[%swap3A_232] : memref<1xf32, #tpu.memory_space<smem>>
      %eq3A_234 = arith.constant 1 : i32
      %eq3A_235 = arith.cmpi eq, %arg0, %eq3A_234 : i32
      %convert_element_type3A_236 = arith.extui %eq3A_235 : i1 to i32
      %cond3A_237 = arith.constant 0 : i32
      %cond3A_238 = arith.cmpi ne, %convert_element_type3A_236, %cond3A_237 : i32
      scf.if %cond3A_238 {
        %get3A_239 = arith.constant 0 : index
        %get3A_240 = memref.load %arg8[%get3A_239] : memref<1xf32, #tpu.memory_space<smem>>
        %mul3A_241 = arith.constant 4.76837158E-6 : f32
        %mul3A_242 = arith.mulf %get3A_240, %mul3A_241 : f32
        %swap3A_243 = arith.constant 0 : index
        %swap3A_244 = arith.constant 0 : index
        %swap3A_245 = memref.load %arg5[%swap3A_243, %swap3A_244] : memref<1x1xf32, #tpu.memory_space<smem>>
        memref.store %mul3A_242, %arg5[%swap3A_243, %swap3A_244] : memref<1x1xf32, #tpu.memory_space<smem>>
      } else {
      }
    } else {
    }
    return
  }
  func.func @transform_0(%arg0: i32, %arg1: i32) -> (i32, i32) {
    %c0_i32 = arith.constant 0 : i32
    %c0_i32_0 = arith.constant 0 : i32
    return %arg0, %c0_i32 : i32, i32
  }
  func.func @transform_1(%arg0: i32, %arg1: i32) -> (i32, i32) {
    %c0_i32 = arith.constant 0 : i32
    %c0_i32_0 = arith.constant 0 : i32
    return %c0_i32, %arg1 : i32, i32
  }
  func.func @transform_2(%arg0: i32, %arg1: i32) -> (i32, i32) {
    %c0_i32 = arith.constant 0 : i32
    %c0_i32_0 = arith.constant 0 : i32
    return %arg0, %c0_i32 : i32, i32
  }
  func.func @transform_3(%arg0: i32, %arg1: i32) -> (i32, i32) {
    %c0_i32 = arith.constant 0 : i32
    %c0_i32_0 = arith.constant 0 : i32
    %c0_i32_1 = arith.constant 0 : i32
    return %c0_i32, %c0_i32_0 : i32, i32
  }
}

</mosaic_0001>

<sc_bundles>
// kernel: kernel.4.cloned.1.call-start
scs
__scs_entry_jumppad:
0x0: {  	(pc) =	sbr.rel $0x88, $3  }
0x1: {  	(tag) =	ssettag $0x0;
	lr =	simm.s32 $0x1  }
0x2: {  	[smem:$0x3F9F] =	sst lr;
	_ =	strace $0xD0000000  }
0x3: {  	_ = 	snop  }
0x4: {  	_ = 	snop  }
0x5: {  	_ = 	snop  }
0x6: {  	_ = 	snop  }
0x7: {  	_ = 	snop  }
__scs_overlays_trampoline_lowered:
0x8: {  	[smem:$0x3FAE] =	sst s0  }
0x9: {  	[smem:$0x3FAF] =	sst s1  }
0xa: {  	[smem:$0x3FB0] =	sst s2  }
0xb: {  	[smem:$0x3FB1] =	sst s3  }
0xc: {  	[smem:$0x3FB2] =	sst s4  }
0xd: {  	[smem:$0x3FB3] =	sst s5  }
0xe: {  	[smem:$0x3FB4] =	sst s6  }
0xf: {  	[smem:$0x3FB5] =	sst s7  }
0x10: {  	[smem:$0x3FB6] =	sst s8  }
0x11: {  	[smem:$0x3FB7] =	sst s9;
	s0 =	simm.s32 @!p0 $0x0  }
0x12: {  	s1 =	sld [smem:$0x3F9D];
	s0 =	simm.s32 @p0 $0x1  }
0x13: {  	[smem:$0x3FB8] =	sst s0;
	s0 =	simm.s32 @!p1 $0x0  }
0x14: {  	s2 =	sld [smem:$0x3F9C];
	s0 =	simm.s32 @p1 $0x1  }
0x15: {  	[smem:$0x3FB9] =	sst s0;
	s0 =	simm.s32 @!p2 $0x0  }
0x16: {  	s3 =	sld [smem:$0x3FDB];
	s0 =	simm.s32 @p2 $0x1  }
0x17: {  	s4 =	simm.s32 $0x1BF5;
	[smem:$0x3FBB] =	sst s0  }
0x18: {  	s0 =	sld [smem:$0x3F9E];
	_ =	swait.ge [sflag:s4], $0x0  }
0x19: {  	s7 =	sld [smem:$0x3F9F]  }
0x1a: {  	s8 =	sadd.s32 $0xFFFFE003, lr  }
0x1b: {  	s9 =	sadd.s32 $0xFFFFFEF7, lr;
	s5 =	simm.s32 $0xFFFFFFFF;
	p2 =	slt.u32 s8, $0xFFFFF086  }
0x1c: {  	p1 =	slt.u32 s9, $0xF7A;
	s5 =	simm.s32 @!p2 $0x0  }
0x1d: {  	s5 =	simm.s32 @p1 $0x1;
	p0 =	seq.s32 s7, s2  }
0x1e: {  	s7 =	smul.u32 @!p0 $0xF7A, s2;
	p2 =	seq.s32 @!p0 s5, $0x0  }
0x1f: {  	s9 =	smul.u32 $0xF7A, s1;
	s8 =	simm.s32 @!p0 $0x1BF5;
	p2 =	por !p2, p0  }
0x20: {  	[sflag:s8] =	ssyncset.s32 @!p0 $0xFFFFF086;
	s6 =	sadd.s32 @!p0 s3, s7;
	s7 =	simm.s32 @!p0 $0x108  }
0x21: {  	s3 =	sadd.s32 s3, s9;
	s6 =	sadd.s32 @!p0 $0x88, s6;
	s7 =	simm.s32 @p2 $0x1082  }
0x22: {  	[simem:s7], [sflag:s8] =	dma.local @!p0 [hbm:s6], $0xF7A  }
0x23: {  	s9 =	sor.u32 $0xD0000000, s2;
	s6 =	simm.s32 $0x108;
	_ =	swait.ge @!p0 [sflag:s8], $0x0  }
0x24: {  	s3 =	sadd.s32 $0x88, s3;
	s6 =	simm.s32 @!p1 $0x1082;
	[sflag:s4] =	ssyncset.s32 $0xFFFFF086  }
0x25: {  	[simem:s6], [sflag:s4] =	dma.local [hbm:s3], $0xF7A  }
0x26: {  	[smem:$0x3F9F] =	sst s1;
	(tag) =	ssettag s2;
	_ =	strace s9  }
0x27: {  	s1 =	sld [smem:$0x3FAF]  }
0x28: {  	s2 =	sld [smem:$0x3FB0]  }
0x29: {  	s4 =	sld [smem:$0x3FB2]  }
0x2a: {  	p0 =	seq.s32 s5, $0x0;
	s5 =	sld [smem:$0x3FB3]  }
0x2b: {  	s6 =	sld [smem:$0x3FB4]  }
0x2c: {  	s7 =	sld [smem:$0x3FB5]  }
0x2d: {  	s3 =	simm.s32 $0x108;
	s8 =	sld [smem:$0x3FB6]  }
0x2e: {  	s3 =	simm.s32 @!p0 $0x1082;
	s9 =	sld [smem:$0x3FB7]  }
0x2f: {  	lr =	sadd.s32 s0, s3;
	s0 =	sld [smem:$0x3FAE]  }
0x30: {  	s3 =	sld [smem:$0x3FB1]  }
0x31: {  	[smem:$0x3FBA] =	sst s10  }
0x32: {  	s10 =	sld [smem:$0x3FB8];
	_ =	sdelay $0x3  }
0x33: {  	p0 =	seq.s32 s10, $0x1;
	s10 =	sld [smem:$0x3FBA];
	_ =	sdelay $0x3  }
0x34: {  	[smem:$0x3FBA] =	sst s10  }
0x35: {  	s10 =	sld [smem:$0x3FB9];
	_ =	sdelay $0x3  }
0x36: {  	p1 =	seq.s32 s10, $0x1;
	s10 =	sld [smem:$0x3FBA];
	_ =	sdelay $0x3  }
0x37: {  	[smem:$0x3FBA] =	sst s10  }
0x38: {  	s10 =	sld [smem:$0x3FBB]  }
0x39: {  	_ = 	snop;
	(pc) =	sbr.ind lr, $3  }
0x3a: {  	_ = 	snop  }
0x3b: {  	_ = 	snop  }
0x3c: {  	p2 =	seq.s32 s10, $0x1;
	s10 =	sld [smem:$0x3FBA]  }
0x3d: {  	_ =	shalt  }
0x3e: {  	_ =	shalt  }
0x3f: {  	_ =	shalt  }
0x40: {  	_ =	shalt  }
0x41: {  	_ =	shalt  }
0x42: {  	_ =	shalt  }
0x43: {  	_ =	shalt  }
0x44: {  	_ =	shalt  }
0x45: {  	_ =	shalt  }
0x46: {  	_ =	shalt  }
0x47: {  	_ =	shalt  }
0x48: {  	_ =	shalt  }
0x49: {  	_ =	shalt  }
0x4a: {  	_ =	shalt  }
0x4b: {  	_ =	shalt  }
0x4c: {  	_ =	shalt  }
0x4d: {  	_ =	shalt  }
0x4e: {  	_ =	shalt  }
0x4f: {  	_ =	shalt  }
0x50: {  	_ =	shalt  }
0x51: {  	_ =	shalt  }
0x52: {  	_ =	shalt  }
0x53: {  	_ =	shalt  }
0x54: {  	_ =	shalt  }
0x55: {  	_ =	shalt  }
0x56: {  	_ =	shalt  }
0x57: {  	_ =	shalt  }
0x58: {  	_ =	shalt  }
0x59: {  	_ =	shalt  }
0x5a: {  	_ =	shalt  }
0x5b: {  	_ =	shalt  }
0x5c: {  	_ =	shalt  }
0x5d: {  	_ =	shalt  }
0x5e: {  	_ =	shalt  }
0x5f: {  	_ =	shalt  }
0x60: {  	_ =	shalt  }
0x61: {  	_ =	shalt  }
0x62: {  	_ =	shalt  }
0x63: {  	_ =	shalt  }
0x64: {  	_ =	shalt  }
0x65: {  	_ =	shalt  }
0x66: {  	_ =	shalt  }
0x67: {  	_ =	shalt  }
0x68: {  	_ =	shalt  }
0x69: {  	_ =	shalt  }
0x6a: {  	_ =	shalt  }
0x6b: {  	_ =	shalt  }
0x6c: {  	_ =	shalt  }
0x6d: {  	_ =	shalt  }
0x6e: {  	_ =	shalt  }
0x6f: {  	_ =	shalt  }
0x70: {  	_ =	shalt  }
0x71: {  	_ =	shalt  }
0x72: {  	_ =	shalt  }
0x73: {  	_ =	shalt  }
0x74: {  	_ =	shalt  }
0x75: {  	_ =	shalt  }
0x76: {  	_ =	shalt  }
0x77: {  	_ =	shalt  }
0x78: {  	_ =	shalt  }
0x79: {  	_ =	shalt  }
0x7a: {  	_ =	shalt  }
0x7b: {  	_ =	shalt  }
0x7c: {  	_ =	shalt  }
0x7d: {  	_ =	shalt  }
0x7e: {  	_ =	shalt  }
0x7f: {  	_ =	shalt  }
0x80: {  	_ =	shalt  }
0x81: {  	_ =	shalt  }
0x82: {  	_ =	shalt  }
0x83: {  	_ =	shalt  }
0x84: {  	_ =	shalt  }
0x85: {  	_ =	shalt  }
0x86: {  	_ =	shalt  }
0x87: {  	_ =	shalt  }
.Lfunc_end0:
.L_simem_size_0:
called_computation_lowered:
.L_overlay_start_0:
0x88: {  	s2 =	sld [smem:$0x3FD9]  }
0x89: {  	s3 =	sld [smem:$0x3FFE];
	_ =	sdelay $0x1  }
0x8a: {  	s1 =	srdreg.scid  }
0x8b: {  	s0 =	sand.u32 $0x1, s1  }
0x8c: {  	s14 =	sshll.u32 s0, $0xA;
	s2 =	sadd.s32 s3, s2  }
0x8d: {  	s2 =	sadd.s32 s2, s14  }
0x8e: {  	[smem:$0x3FC6] =	sst s2  }
0x8f: {  	_ = 	snop  }
0x90: {  	s2 =	sld [smem:$0x3FD0];
	_ =	sdelay $0x2  }
0x91: {  	s15 =	simm.s32 $0xA;
	s4 =	simm.s32 $0x10  }
0x92: {  	[smem:s4], [sflag:s15] =	dma.local [hbm:s2], $0x1  }
0x93: {  	_ =	swait.eq [sflag:s15], $0x1  }
0x94: {  	[sflag:s15] =	ssyncset.done $0x0  }
0x95: {  	[sflag:s15] =	ssyncadd.s32 $0xFFFFFFFF  }
0x96: {  	s16 =	sld [smem:$0x10];
	(tm) =	ssettm $0x1  }
0x97: {  	s17 =	sld [smem:$0x3FFB];
	_ =	sdelay $0x3  }
0x98: {  	_ =	strace s17  }
0x99: {  	s3 =	sld [smem:$0x3FFC];
	_ =	sdelay $0x3  }
0x9a: {  	_ =	strace s3  }
0x9b: {  	s3 =	sld [smem:$0x3FFD];
	_ =	sdelay $0x3  }
0x9c: {  	_ =	strace s3  }
0x9d: {  	_ =	strace $0x8FFFFFFF  }
0x9e: {  	s18 =	sld [smem:$0x3FDB];
	_ =	sdelay $0x1  }
0x9f: {  	s19 =	simm.s32 $_scs_section_size  }
0xa0: {  	s5 =	simm.s32 $_size__tile_overlayer_lowered;
	s6 =	simm.s32 $_tile_overlayer_lowered  }
0xa1: {  	s22 =	simm.s32 $0x1BFF;
	s21 =	sshll.u32 s6, $0x1;
	s3 =	sadd.s32 s19, s18  }
0xa2: {  	s7 =	simm.s32 $0x0;
	s20 =	sshll.u32 s5, $0x1;
	s5 =	sadd.s32 s21, s3  }
0xa3: {  	[timem:s7], [sflag:s22] =	dma.local [hbm:s5], s20  }
0xa4: {  	_ =	swait.ge [sflag:s22], s20  }
0xa5: {  	s4 =	ssub.s32 $0x0, s20;
	[sflag:s22] =	ssyncset.done $0x0  }
0xa6: {  	[sflag:s22] =	ssyncadd.s32 s4;
	_ =	sdelay $0x1  }
0xa7: {  	s23 =	simm.s32 $0x1B8B  }
0xa8: {  	_ =	swait.ge [sflag:s23], $0x1  }
0xa9: {  	[sflag:s23] =	ssyncset.done $0x0  }
0xaa: {  	s25 =	simm.s32 $0x1B8E;
	s24 =	sld [smem:$0x3FFE];
	[sflag:s23] =	ssyncadd.s32 $0xFFFFFFFF  }
0xab: {  	s26 =	simm.s32 $execute0_lowered;
	[smem:$0x3FD2] =	sst s25  }
0xac: {  	s5 =	sshll.u32 s26, $0x1;
	_ =	strace $0x80000046;
	[dreg:$0x1] =	wrdreg $0xFFFFFFFF  }
0xad: {  	s28 =	simm.s32 $_size_execute0_lowered;
	s3 =	sadd.s32 s3, s5;
	[dreg:$0x0] =	wrdreg $0x0  }
0xae: {  	s5 =	sshll.u32 s28, $0x1;
	[dreg:$0x2] =	wrdreg s3  }
0xaf: {  	[dreg:$0x3] =	wrdreg s5  }
0xb0: {  	[dreg:$0x4] =	wrdreg $0xC0  }
0xb1: {  	_ =	task [dreg:s7], $0x5FFFF  }
0xb2: {  	[dreg:$0x1] =	wrdreg $0xFFFFFFFF  }
0xb3: {  	[dreg:$0x0] =	wrdreg $0x60  }
0xb4: {  	[dreg:$0x2] =	wrdreg s16  }
0xb5: {  	[dreg:$0x3] =	wrdreg s24  }
0xb6: {  	[dreg:$0x4] =	wrdreg $0x9  }
0xb7: {  	_ =	task.clear_ibuf [dreg:s7], $0x5FFFF;
	_ =	strace $0x90000046  }
0xb8: {  	s29 =	simm.s32 $0x9;
	_ =	strace $0x80000048  }
0xb9: {  	_ =	swait.ge [sflag:s29], $0x1  }
0xba: {  	[sflag:s29] =	ssyncadd.s32 $0xFFFFFFFF  }
0xbb: {  	_ =	strace $0x90000048  }
0xbc: {  	_ =	sfence  }
0xbd: {  	s30 =	sld [smem:$0x0];
	_ =	sdelay $0x2  }
0xbe: {  	s31 =	sshll.u32 s1, $0xD;
	s1 =	sshrl.u32 s1, $0x2  }
0xbf: {  	s3 =	sand.u32 $0x4000, s31;
	s1 =	sadd.s32 s1, s30  }
0xc0: {  	s0 =	sor.u32 s3, s0;
	s1 =	sshll.u32 s1, $0x11  }
0xc1: {  	s0 =	sor.u32 s1, s0  }
0xc2: {  	s0 =	sadd.s32 $0x8F2B, s0  }
0xc3: {  	[sflag:s0] =	ssyncadd.remote.s32 $0x1  }
0xc4: {  	_ =	sfence.sel $0xFFFF  }
0xc5: {  	[dreg:$0x0] =	wrdreg $0xFFFFFFFF;
	(pc) =	sbr.abs _section_cstart, $3  }
0xc6: {  	[dreg:$0x1] =	wrdreg $0xFFFFFFFF  }
0xc7: {  	_ =	task.clear_ibuf [dreg:s7], $0x2FFFF;
	_ =	strace $0x9FFFFFFF  }
0xc8: {  	(tm) =	ssettm $0x7FFFFFFF  }
0xc9: {  	_ =	shalt  }
tec
execute0_lowered:
.L_overlay_start_1:
0x0: {  	(tag) =	ssettag $0x1  }
0x1: {  	s1 =	rddreg [dreg:$0x0]  }
0x2: {  	s4 =	rddreg [dreg:$0x1]  }
0x3: {  	s0 =	rddreg [dreg:$0x2];
	s3 =	simm.s32 $0x0;
	s5 =	srdreg.scid  }
0x4: {  	s2 =	stileid.u32;
	s9 =	simm.s32 $0x80;
	s10 =	simm.s32 $0x100  }
0x5: {  	s11 =	simm.s32 $0x1100;
	s12 =	simm.s32 $0x2100;
	s13 =	simm.s32 $0x1  }
0x6: {  	[smem:$0x7FF] =	sst s3;
	s5 =	sand.u32 $0x1, s5;
	s6 =	sshll.u32 s2, $0x1  }
0x7: {  	s14 =	simm.s32 $0x0;
	_ =	strace $0x80000047;
	s6 =	sor.u32 s5, s6  }
0x8: {  	s5 =	ssub.s32 $0x2, s5;
	s7 =	sshll.u32 s6, $0x5;
	s6 =	sshll.u32 s6, $0xA  }
0x9: {  	s31 =	sshrl.u32 s5, $0x1;
	s7 =	sadd.s32 s7, s4;
	s6 =	sadd.s32 s6, s4  }
0xa: {  	s8 =	ssub.s32 s5, s31;
	s4 =	sadd.s32 $0x8400, s7;
	s5 =	sadd.s32 $0x400, s6  }
0xb: {  	s6 =	sadd.s32 $0x8800, s6;
	s7 =	smax.u32 s8, $0x1;
	s8 =	simm.s32 $0x2  }
.LBB2_1:
0xc: {  	[tilespmem:s3], [sflag:$0x2] =	stream.linear.gather [hbm4b:s4+s3], $0x100, $0x38;
	[tilespmem:$0x4100] =	vst v63  }
0xd: {  	_ =	swait.ge [sflag:s8], $0x100  }
0xe: {  	[sflag:s8] =	ssyncset.done $0x0  }
0xf: {  	[sflag:s8] =	ssyncadd.s32 $0xFFFFFF00  }
0x10: {  	[tilespmem:s10], [sflag:$0x1] =	stream.indirect.gather [hbm4b:s1+s9], $0x20, s3, s9, $0xb8;
	[tilespmem:$0x4100] =	vst v63  }
0x11: {  	_ = 	snop  }
0x12: {  	[tilespmem:s11], [sflag:$0x1] =	stream.indirect.gather [hbm4b:s1+s9], $0x20, s9, s9, $0xb8;
	[tilespmem:$0x4100] =	vst v63  }
0x13: {  	_ = 	snop  }
0x14: {  	[tilespmem:s12], [sflag:$0x2] =	stream.linear.gather [hbm4b:s5+s3], $0x2000, $0x38;
	[tilespmem:$0x4100] =	vst v63  }
0x15: {  	_ =	swait.ge [sflag:s8], $0x2000  }
0x16: {  	[sflag:s8] =	ssyncset.done $0x0  }
0x17: {  	[sflag:s8] =	ssyncadd.s32 $0xFFFFE000  }
0x18: {  	_ =	swait.ge [sflag:s13], $0x1000  }
0x19: {  	[sflag:s13] =	ssyncset.done $0x0  }
0x1a: {  	[sflag:s13] =	ssyncadd.s32 $0xFFFFF000  }
0x1b: {  	_ =	swait.ge [sflag:s13], $0x1000  }
0x1c: {  	[sflag:s13] =	ssyncset.done $0x0  }
0x1d: {  	s15 =	simm.s32 $0x0;
	[sflag:s13] =	ssyncadd.s32 $0xFFFFF000  }
0x1e: {  	v0 =	vld [tilespmem:s15+$0x2100]  }
0x1f: {  	v1 =	vld [tilespmem:s15+$0x2110]  }
0x20: {  	s16 =	simm.s32 $0x80;
	v2 =	vld [tilespmem:s15+$0x100]  }
.LBB2_2:
0x21: {  	p0 =	sne.s32 s16, $0x7F80;
	v3 =	vld [tilespmem:s15+$0x110];
	_ =	sdelay $0x3  }
0x22: {  	v2 =	vsub.f32 v2, v0  }
.Ltmp0:
0x23: {  	v3 =	vsub.f32 v3, v1;
	(pc) =	sbr.rel @p0 .LBB2_2-.Ltmp0, $4  }
0x24: {  	s17 =	sshra.s32 s16, $0x2;
	v2 =	vadd.f32 v2, v0  }
0x25: {  	v0 =	vld [tilespmem:s17+$0x2100];
	v3 =	vadd.f32 v3, v1  }
0x26: {  	v1 =	vld [tilespmem:s17+$0x2110];
	[tilespmem:s15+$0x100] =	vst v2  }
0x27: {  	s16 =	sadd.s32 $0x80, s16;
	v2 =	vld [tilespmem:s17+$0x100];
	[tilespmem:s15+$0x110] =	vst v3;
	s15 =	smov.u32 s17  }
0x28: {  	v3 =	vld [tilespmem:s15+$0x110];
	_ =	sdelay $0x3  }
0x29: {  	v2 =	vsub.f32 v2, v0  }
0x2a: {  	v3 =	vsub.f32 v3, v1  }
0x2b: {  	v0 =	vadd.f32 v2, v0  }
0x2c: {  	s14 =	sadd.s32 $0x1, s14;
	v1 =	vadd.f32 v3, v1  }
0x2d: {  	p0 =	sne.s32 s14, s7;
	[tilespmem:s15+$0x100] =	vst v0  }
.Ltmp1:
0x2e: {  	[tilespmem:s15+$0x110] =	vst v1;
	(pc) =	sbr.rel @p0 .LBB2_1-.Ltmp1, $4  }
0x2f: {  	[hbm4b:s6+s3] =	stream.linear.scatter [tilespmem:s10], [sflag:$0x2], $0x2000, $0x38;
	[tilespmem:$0x4100] =	vst v63  }
0x30: {  	_ =	swait.ge [sflag:s8], $0x2000  }
0x31: {  	[sflag:s8] =	ssyncset.done $0x0  }
0x32: {  	[sflag:s8] =	ssyncadd.s32 $0xFFFFE000  }
0x33: {  	_ =	sfence.sel $0x180000  }
0x34: {  	[bflag:$0x0] =	sbarrier.arrive $0xFFFF  }
0x35: {  	p0 =	sne.s32 s2, $0x0;
	_ =	strace $0x90000047  }
0x36: {  	s0 =	sadd.s32 @!p0 $0x100000, s0;
	[bflag:$0x2] =	sbarrier.arrive $0xFFFF  }
0x37: {  	[sflag:s0] =	ssyncadd.tile.s32 @!p0 $0x1;
	_ =	shalt  }
.Lfunc_end2:
_tile_overlayer_lowered:
.L_overlay_start_2:
0x38: {  	(tag) =	ssettag $0x2  }
0x39: {  	s0 =	rddreg [dreg:$0x0];
	s2 =	stileid.u32  }
0x3a: {  	s1 =	rddreg [dreg:$0x1];
	p0 =	sne.s32 s2, $0x0  }
0x3b: {  	s3 =	rddreg [dreg:$0x2];
	[bflag:$0x3] =	sbarrier.arrive $0xFFFF;
	s2 =	simm.s32 @!p0 $0x1C02  }
0x3c: {  	[timem:s3], [sflag:s2] =	dma.local @!p0 [hbm:s0], s1  }
0x3d: {  	s0 =	simm.s32 @!p0 $0x2  }
0x3e: {  	_ =	swait.ge @!p0 [sflag:s0], s1  }
0x3f: {  	s1 =	ssub.s32 @!p0 $0x0, s1;
	[sflag:s0] =	ssyncset.done @!p0 $0x0  }
0x40: {  	[sflag:s0] =	ssyncadd.s32 @!p0 s1  }
0x41: {  	[bflag:$0x3] =	sbarrier.arrive $0xFFFF  }
0x42: {  	_ =	shalt  }

</sc_bundles>
